<compile_context>
chip_gen: v7x
topology: tpu7x:2x2x1
jax: 0.10.2.dev20260603
libtpu: 0.0.44.dev20260713+nightly
codegen_flags: <defaults>
</compile_context>

<pallas_src>
import functools

import jax
import jax.numpy as jnp
from jax import lax
from jax.experimental import pallas as pl
from jax.experimental.pallas import tpu as pltpu
from jax.experimental.pallas import tpu_sc as plsc

_NUM_CORES = 2
_NUM_SUBCORES = 16
_NUM_WORKERS = _NUM_CORES * _NUM_SUBCORES
_KG = 8
_K = 8


def kernel(embeddings, token_type, modality_embedding_weight):
    seq_len = embeddings.shape[1]
    d = modality_embedding_weight.shape[1]
    rows_per_worker = seq_len // _NUM_WORKERS
    reps = rows_per_worker // _K

    idx = jnp.full((_KG,), token_type, dtype=jnp.int32)

    mesh = plsc.VectorSubcoreMesh(core_axis_name="c", subcore_axis_name="s")

    @functools.partial(
        pl.kernel,
        mesh=mesh,
        out_type=jax.ShapeDtypeStruct((seq_len, d), jnp.float32),
        scratch_types=[
            pltpu.VMEM((_KG,), jnp.int32),
            pltpu.VMEM((_K, d), jnp.float32),
            pltpu.SemaphoreType.DMA,
        ],
    )
    def bcast(idx_hbm, w_hbm, out_hbm, idx_v, buf_v, sem):
        wid = lax.axis_index("s") * _NUM_CORES + lax.axis_index("c")
        base = wid * rows_per_worker
        pltpu.sync_copy(idx_hbm, idx_v)
        pltpu.async_copy(w_hbm.at[idx_v], buf_v.at[pl.ds(0, _KG)], sem).wait()
        copies = [
            pltpu.async_copy(buf_v, out_hbm.at[pl.ds(base + j * _K, _K)], sem)
            for j in range(reps)
        ]
        for c in copies:
            c.wait()

    return bcast(idx, modality_embedding_weight)

# --- scband reference (transcript-rebuilt; emitter-appended) ---
"""Pipeline reference for scband-token-type-embeddings-59373627899929 (READ-ONLY COPY).

The authoritative reference and input builder live on the scoring server;
editing this copy changes nothing except your own understanding.
"""

import jax, jax.numpy as jnp
import numpy as np

D_MODEL = 1024
TOKEN_TYPE_NUM = 3
BATCH = 4
SEQ_LEN = 4096


def setup_inputs(seed: int = 0) -> dict:
    key = jax.random.key(seed)
    k_emb, = jax.random.split(key, 1)
    embeddings = jax.random.normal(k_emb, (BATCH, SEQ_LEN, D_MODEL), dtype=jnp.float32)
    # torch module zero-initializes the modality embedding table
    modality_embedding_weight = jnp.zeros((TOKEN_TYPE_NUM, D_MODEL), dtype=jnp.float32)
    # token_type string 'video' maps to id 1 via type2id
    token_type = 1
    return {
        "embeddings": embeddings,
        "token_type": token_type,
        "modality_embedding_weight": modality_embedding_weight,
    }


def reference(embeddings, token_type, modality_embedding_weight):
    # seq_length = embeddings.size(1)
    seq_length = embeddings.shape[1]
    # token_type_id = self.type2id[token_type] -> already an int id here
    token_type_ids = jnp.full((seq_length,), token_type, dtype=jnp.int32)
    # nn.Embedding lookup -> gather rows from the table
    modality_embeddings = jnp.take(modality_embedding_weight, token_type_ids, axis=0)
    return modality_embeddings

if __name__ == "__main__":
    import jax
    _d = setup_inputs()
    print(jax.jit(kernel)(*tuple(_d.values())))

</pallas_src>

<mosaic_0001>
#map = affine_map<(d0, d1) -> (0)>
#map1 = affine_map<(d0, d1) -> (0, 0)>
module attributes {stable_mosaic.version = 14 : i64} {
  func.func @bcast(%arg0: i32, %arg1: i32, %arg2: memref<8xi32, #tpu.memory_space<hbm>>, %arg3: memref<3x1024xf32, #tpu.memory_space<hbm>>, %arg4: memref<4096x1024xf32, #tpu.memory_space<hbm>>, %arg5: memref<8xi32, #tpu.memory_space<vmem>>, %arg6: memref<8x1024xf32, #tpu.memory_space<vmem>>, %arg7: memref<!tpu.dma_semaphore, #tpu.memory_space<semaphore_mem>>) attributes {dimension_semantics = [#tpu.dimension_semantics<core_parallel>, #tpu.dimension_semantics<subcore_parallel>], iteration_bounds = array<i64: 2, 16>, scalar_prefetch = 0 : i64, scratch_operands = 3 : i64, tpu.core_type = #tpu.core_type<sc_vector_subcore>, window_params = [{transform_indices = #map}, {transform_indices = #map1}, {transform_indices = #map1}]} {
    %mul3A = arith.constant 2 : i32
    %mul3A_0 = arith.muli %arg1, %mul3A : i32
    %add3A = arith.addi %mul3A_0, %arg0 : i32
    %mul3A_1 = arith.constant 128 : i32
    %mul3A_2 = arith.muli %add3A, %mul3A_1 : i32
    "tpu.region"() ({
      %run_scoped3A = tpu.sem_alloc : memref<!tpu.dma_semaphore, #tpu.memory_space<semaphore_mem>>
      tpu.enqueue_dma source(%arg2 : memref<8xi32, #tpu.memory_space<hbm>>) target(%arg5 : memref<8xi32, #tpu.memory_space<vmem>>) target_semaphore(%run_scoped3A : memref<!tpu.dma_semaphore, #tpu.memory_space<semaphore_mem>>)
      tpu.wait_dma2 semaphore(%run_scoped3A : memref<!tpu.dma_semaphore, #tpu.memory_space<semaphore_mem>>) src(%arg2 : memref<8xi32, #tpu.memory_space<hbm>>) dst(%arg5 : memref<8xi32, #tpu.memory_space<vmem>>)
      tpu.yield
    }) : () -> ()
    %dma_start3A = arith.constant 0 : i32
    %dma_start3A_3 = arith.constant 0 : i32
    %dma_start3A_4 = tpu.memref_slice %arg6[%dma_start3A, %dma_start3A_3] : memref<8x1024xf32, #tpu.memory_space<vmem>> -> memref<8x1024xf32, #tpu.memory_space<vmem>>
    %dma_start3A_5 = arith.constant 0 : i32
    %dma_start3A_6 = arith.constant 0 : i32
    %dma_start3A_7 = tpu.memref_slice %arg3[%dma_start3A_5, %dma_start3A_6] : memref<3x1024xf32, #tpu.memory_space<hbm>> -> memref<3x1024xf32, #tpu.memory_space<hbm>>
    tpu.enqueue_indirect_dma source(%dma_start3A_7 : memref<3x1024xf32, #tpu.memory_space<hbm>>) target(%dma_start3A_4 : memref<8x1024xf32, #tpu.memory_space<vmem>>) offsets(%arg5 : memref<8xi32, #tpu.memory_space<vmem>>) semaphore(%arg7 : memref<!tpu.dma_semaphore, #tpu.memory_space<semaphore_mem>>)
    %dma_wait3A = arith.constant 0 : i32
    %dma_wait3A_8 = arith.constant 0 : i32
    %dma_wait3A_9 = tpu.memref_slice %arg6[%dma_wait3A, %dma_wait3A_8] : memref<8x1024xf32, #tpu.memory_space<vmem>> -> memref<8x1024xf32, #tpu.memory_space<vmem>>
    %dma_wait3A_10 = arith.constant 0 : i32
    %dma_wait3A_11 = arith.constant 0 : i32
    %dma_wait3A_12 = tpu.memref_slice %arg3[%dma_wait3A_10, %dma_wait3A_11] : memref<3x1024xf32, #tpu.memory_space<hbm>> -> memref<3x1024xf32, #tpu.memory_space<hbm>>
    tpu.wait_indirect_dma semaphore(%arg7 : memref<!tpu.dma_semaphore, #tpu.memory_space<semaphore_mem>>) src(%dma_wait3A_12 : memref<3x1024xf32, #tpu.memory_space<hbm>>) dst(%dma_wait3A_9 : memref<8x1024xf32, #tpu.memory_space<vmem>>)
    %add3A_13 = arith.constant 0 : i32
    %add3A_14 = arith.addi %mul3A_2, %add3A_13 : i32
    %dma_start3A_15 = arith.constant 0 : i32
    %dma_start3A_16 = tpu.memref_slice %arg4[%add3A_14, %dma_start3A_15] : memref<4096x1024xf32, #tpu.memory_space<hbm>> -> memref<8x1024xf32, #tpu.memory_space<hbm>>
    %dma_start3A_17 = arith.constant 0 : i32
    %dma_start3A_18 = tpu.memref_slice %arg4[%add3A_14, %dma_start3A_17] : memref<4096x1024xf32, #tpu.memory_space<hbm>> -> memref<8x1024xf32, #tpu.memory_space<hbm>>
    tpu.enqueue_dma source(%arg6 : memref<8x1024xf32, #tpu.memory_space<vmem>>) target(%dma_start3A_18 : memref<8x1024xf32, #tpu.memory_space<hbm>>) target_semaphore(%arg7 : memref<!tpu.dma_semaphore, #tpu.memory_space<semaphore_mem>>)
    %add3A_19 = arith.constant 8 : i32
    %add3A_20 = arith.addi %mul3A_2, %add3A_19 : i32
    %dma_start3A_21 = arith.constant 0 : i32
    %dma_start3A_22 = tpu.memref_slice %arg4[%add3A_20, %dma_start3A_21] : memref<4096x1024xf32, #tpu.memory_space<hbm>> -> memref<8x1024xf32, #tpu.memory_space<hbm>>
    %dma_start3A_23 = arith.constant 0 : i32
    %dma_start3A_24 = tpu.memref_slice %arg4[%add3A_20, %dma_start3A_23] : memref<4096x1024xf32, #tpu.memory_space<hbm>> -> memref<8x1024xf32, #tpu.memory_space<hbm>>
    tpu.enqueue_dma source(%arg6 : memref<8x1024xf32, #tpu.memory_space<vmem>>) target(%dma_start3A_24 : memref<8x1024xf32, #tpu.memory_space<hbm>>) target_semaphore(%arg7 : memref<!tpu.dma_semaphore, #tpu.memory_space<semaphore_mem>>)
    %add3A_25 = arith.constant 16 : i32
    %add3A_26 = arith.addi %mul3A_2, %add3A_25 : i32
    %dma_start3A_27 = arith.constant 0 : i32
    %dma_start3A_28 = tpu.memref_slice %arg4[%add3A_26, %dma_start3A_27] : memref<4096x1024xf32, #tpu.memory_space<hbm>> -> memref<8x1024xf32, #tpu.memory_space<hbm>>
    %dma_start3A_29 = arith.constant 0 : i32
    %dma_start3A_30 = tpu.memref_slice %arg4[%add3A_26, %dma_start3A_29] : memref<4096x1024xf32, #tpu.memory_space<hbm>> -> memref<8x1024xf32, #tpu.memory_space<hbm>>
    tpu.enqueue_dma source(%arg6 : memref<8x1024xf32, #tpu.memory_space<vmem>>) target(%dma_start3A_30 : memref<8x1024xf32, #tpu.memory_space<hbm>>) target_semaphore(%arg7 : memref<!tpu.dma_semaphore, #tpu.memory_space<semaphore_mem>>)
    %add3A_31 = arith.constant 24 : i32
    %add3A_32 = arith.addi %mul3A_2, %add3A_31 : i32
    %dma_start3A_33 = arith.constant 0 : i32
    %dma_start3A_34 = tpu.memref_slice %arg4[%add3A_32, %dma_start3A_33] : memref<4096x1024xf32, #tpu.memory_space<hbm>> -> memref<8x1024xf32, #tpu.memory_space<hbm>>
    %dma_start3A_35 = arith.constant 0 : i32
    %dma_start3A_36 = tpu.memref_slice %arg4[%add3A_32, %dma_start3A_35] : memref<4096x1024xf32, #tpu.memory_space<hbm>> -> memref<8x1024xf32, #tpu.memory_space<hbm>>
    tpu.enqueue_dma source(%arg6 : memref<8x1024xf32, #tpu.memory_space<vmem>>) target(%dma_start3A_36 : memref<8x1024xf32, #tpu.memory_space<hbm>>) target_semaphore(%arg7 : memref<!tpu.dma_semaphore, #tpu.memory_space<semaphore_mem>>)
    %add3A_37 = arith.constant 32 : i32
    %add3A_38 = arith.addi %mul3A_2, %add3A_37 : i32
    %dma_start3A_39 = arith.constant 0 : i32
    %dma_start3A_40 = tpu.memref_slice %arg4[%add3A_38, %dma_start3A_39] : memref<4096x1024xf32, #tpu.memory_space<hbm>> -> memref<8x1024xf32, #tpu.memory_space<hbm>>
    %dma_start3A_41 = arith.constant 0 : i32
    %dma_start3A_42 = tpu.memref_slice %arg4[%add3A_38, %dma_start3A_41] : memref<4096x1024xf32, #tpu.memory_space<hbm>> -> memref<8x1024xf32, #tpu.memory_space<hbm>>
    tpu.enqueue_dma source(%arg6 : memref<8x1024xf32, #tpu.memory_space<vmem>>) target(%dma_start3A_42 : memref<8x1024xf32, #tpu.memory_space<hbm>>) target_semaphore(%arg7 : memref<!tpu.dma_semaphore, #tpu.memory_space<semaphore_mem>>)
    %add3A_43 = arith.constant 40 : i32
    %add3A_44 = arith.addi %mul3A_2, %add3A_43 : i32
    %dma_start3A_45 = arith.constant 0 : i32
    %dma_start3A_46 = tpu.memref_slice %arg4[%add3A_44, %dma_start3A_45] : memref<4096x1024xf32, #tpu.memory_space<hbm>> -> memref<8x1024xf32, #tpu.memory_space<hbm>>
    %dma_start3A_47 = arith.constant 0 : i32
    %dma_start3A_48 = tpu.memref_slice %arg4[%add3A_44, %dma_start3A_47] : memref<4096x1024xf32, #tpu.memory_space<hbm>> -> memref<8x1024xf32, #tpu.memory_space<hbm>>
    tpu.enqueue_dma source(%arg6 : memref<8x1024xf32, #tpu.memory_space<vmem>>) target(%dma_start3A_48 : memref<8x1024xf32, #tpu.memory_space<hbm>>) target_semaphore(%arg7 : memref<!tpu.dma_semaphore, #tpu.memory_space<semaphore_mem>>)
    %add3A_49 = arith.constant 48 : i32
    %add3A_50 = arith.addi %mul3A_2, %add3A_49 : i32
    %dma_start3A_51 = arith.constant 0 : i32
    %dma_start3A_52 = tpu.memref_slice %arg4[%add3A_50, %dma_start3A_51] : memref<4096x1024xf32, #tpu.memory_space<hbm>> -> memref<8x1024xf32, #tpu.memory_space<hbm>>
    %dma_start3A_53 = arith.constant 0 : i32
    %dma_start3A_54 = tpu.memref_slice %arg4[%add3A_50, %dma_start3A_53] : memref<4096x1024xf32, #tpu.memory_space<hbm>> -> memref<8x1024xf32, #tpu.memory_space<hbm>>
    tpu.enqueue_dma source(%arg6 : memref<8x1024xf32, #tpu.memory_space<vmem>>) target(%dma_start3A_54 : memref<8x1024xf32, #tpu.memory_space<hbm>>) target_semaphore(%arg7 : memref<!tpu.dma_semaphore, #tpu.memory_space<semaphore_mem>>)
    %add3A_55 = arith.constant 56 : i32
    %add3A_56 = arith.addi %mul3A_2, %add3A_55 : i32
    %dma_start3A_57 = arith.constant 0 : i32
    %dma_start3A_58 = tpu.memref_slice %arg4[%add3A_56, %dma_start3A_57] : memref<4096x1024xf32, #tpu.memory_space<hbm>> -> memref<8x1024xf32, #tpu.memory_space<hbm>>
    %dma_start3A_59 = arith.constant 0 : i32
    %dma_start3A_60 = tpu.memref_slice %arg4[%add3A_56, %dma_start3A_59] : memref<4096x1024xf32, #tpu.memory_space<hbm>> -> memref<8x1024xf32, #tpu.memory_space<hbm>>
    tpu.enqueue_dma source(%arg6 : memref<8x1024xf32, #tpu.memory_space<vmem>>) target(%dma_start3A_60 : memref<8x1024xf32, #tpu.memory_space<hbm>>) target_semaphore(%arg7 : memref<!tpu.dma_semaphore, #tpu.memory_space<semaphore_mem>>)
    %add3A_61 = arith.constant 64 : i32
    %add3A_62 = arith.addi %mul3A_2, %add3A_61 : i32
    %dma_start3A_63 = arith.constant 0 : i32
    %dma_start3A_64 = tpu.memref_slice %arg4[%add3A_62, %dma_start3A_63] : memref<4096x1024xf32, #tpu.memory_space<hbm>> -> memref<8x1024xf32, #tpu.memory_space<hbm>>
    %dma_start3A_65 = arith.constant 0 : i32
    %dma_start3A_66 = tpu.memref_slice %arg4[%add3A_62, %dma_start3A_65] : memref<4096x1024xf32, #tpu.memory_space<hbm>> -> memref<8x1024xf32, #tpu.memory_space<hbm>>
    tpu.enqueue_dma source(%arg6 : memref<8x1024xf32, #tpu.memory_space<vmem>>) target(%dma_start3A_66 : memref<8x1024xf32, #tpu.memory_space<hbm>>) target_semaphore(%arg7 : memref<!tpu.dma_semaphore, #tpu.memory_space<semaphore_mem>>)
    %add3A_67 = arith.constant 72 : i32
    %add3A_68 = arith.addi %mul3A_2, %add3A_67 : i32
    %dma_start3A_69 = arith.constant 0 : i32
    %dma_start3A_70 = tpu.memref_slice %arg4[%add3A_68, %dma_start3A_69] : memref<4096x1024xf32, #tpu.memory_space<hbm>> -> memref<8x1024xf32, #tpu.memory_space<hbm>>
    %dma_start3A_71 = arith.constant 0 : i32
    %dma_start3A_72 = tpu.memref_slice %arg4[%add3A_68, %dma_start3A_71] : memref<4096x1024xf32, #tpu.memory_space<hbm>> -> memref<8x1024xf32, #tpu.memory_space<hbm>>
    tpu.enqueue_dma source(%arg6 : memref<8x1024xf32, #tpu.memory_space<vmem>>) target(%dma_start3A_72 : memref<8x1024xf32, #tpu.memory_space<hbm>>) target_semaphore(%arg7 : memref<!tpu.dma_semaphore, #tpu.memory_space<semaphore_mem>>)
    %add3A_73 = arith.constant 80 : i32
    %add3A_74 = arith.addi %mul3A_2, %add3A_73 : i32
    %dma_start3A_75 = arith.constant 0 : i32
    %dma_start3A_76 = tpu.memref_slice %arg4[%add3A_74, %dma_start3A_75] : memref<4096x1024xf32, #tpu.memory_space<hbm>> -> memref<8x1024xf32, #tpu.memory_space<hbm>>
    %dma_start3A_77 = arith.constant 0 : i32
    %dma_start3A_78 = tpu.memref_slice %arg4[%add3A_74, %dma_start3A_77] : memref<4096x1024xf32, #tpu.memory_space<hbm>> -> memref<8x1024xf32, #tpu.memory_space<hbm>>
    tpu.enqueue_dma source(%arg6 : memref<8x1024xf32, #tpu.memory_space<vmem>>) target(%dma_start3A_78 : memref<8x1024xf32, #tpu.memory_space<hbm>>) target_semaphore(%arg7 : memref<!tpu.dma_semaphore, #tpu.memory_space<semaphore_mem>>)
    %add3A_79 = arith.constant 88 : i32
    %add3A_80 = arith.addi %mul3A_2, %add3A_79 : i32
    %dma_start3A_81 = arith.constant 0 : i32
    %dma_start3A_82 = tpu.memref_slice %arg4[%add3A_80, %dma_start3A_81] : memref<4096x1024xf32, #tpu.memory_space<hbm>> -> memref<8x1024xf32, #tpu.memory_space<hbm>>
    %dma_start3A_83 = arith.constant 0 : i32
    %dma_start3A_84 = tpu.memref_slice %arg4[%add3A_80, %dma_start3A_83] : memref<4096x1024xf32, #tpu.memory_space<hbm>> -> memref<8x1024xf32, #tpu.memory_space<hbm>>
    tpu.enqueue_dma source(%arg6 : memref<8x1024xf32, #tpu.memory_space<vmem>>) target(%dma_start3A_84 : memref<8x1024xf32, #tpu.memory_space<hbm>>) target_semaphore(%arg7 : memref<!tpu.dma_semaphore, #tpu.memory_space<semaphore_mem>>)
    %add3A_85 = arith.constant 96 : i32
    %add3A_86 = arith.addi %mul3A_2, %add3A_85 : i32
    %dma_start3A_87 = arith.constant 0 : i32
    %dma_start3A_88 = tpu.memref_slice %arg4[%add3A_86, %dma_start3A_87] : memref<4096x1024xf32, #tpu.memory_space<hbm>> -> memref<8x1024xf32, #tpu.memory_space<hbm>>
    %dma_start3A_89 = arith.constant 0 : i32
    %dma_start3A_90 = tpu.memref_slice %arg4[%add3A_86, %dma_start3A_89] : memref<4096x1024xf32, #tpu.memory_space<hbm>> -> memref<8x1024xf32, #tpu.memory_space<hbm>>
    tpu.enqueue_dma source(%arg6 : memref<8x1024xf32, #tpu.memory_space<vmem>>) target(%dma_start3A_90 : memref<8x1024xf32, #tpu.memory_space<hbm>>) target_semaphore(%arg7 : memref<!tpu.dma_semaphore, #tpu.memory_space<semaphore_mem>>)
    %add3A_91 = arith.constant 104 : i32
    %add3A_92 = arith.addi %mul3A_2, %add3A_91 : i32
    %dma_start3A_93 = arith.constant 0 : i32
    %dma_start3A_94 = tpu.memref_slice %arg4[%add3A_92, %dma_start3A_93] : memref<4096x1024xf32, #tpu.memory_space<hbm>> -> memref<8x1024xf32, #tpu.memory_space<hbm>>
    %dma_start3A_95 = arith.constant 0 : i32
    %dma_start3A_96 = tpu.memref_slice %arg4[%add3A_92, %dma_start3A_95] : memref<4096x1024xf32, #tpu.memory_space<hbm>> -> memref<8x1024xf32, #tpu.memory_space<hbm>>
    tpu.enqueue_dma source(%arg6 : memref<8x1024xf32, #tpu.memory_space<vmem>>) target(%dma_start3A_96 : memref<8x1024xf32, #tpu.memory_space<hbm>>) target_semaphore(%arg7 : memref<!tpu.dma_semaphore, #tpu.memory_space<semaphore_mem>>)
    %add3A_97 = arith.constant 112 : i32
    %add3A_98 = arith.addi %mul3A_2, %add3A_97 : i32
    %dma_start3A_99 = arith.constant 0 : i32
    %dma_start3A_100 = tpu.memref_slice %arg4[%add3A_98, %dma_start3A_99] : memref<4096x1024xf32, #tpu.memory_space<hbm>> -> memref<8x1024xf32, #tpu.memory_space<hbm>>
    %dma_start3A_101 = arith.constant 0 : i32
    %dma_start3A_102 = tpu.memref_slice %arg4[%add3A_98, %dma_start3A_101] : memref<4096x1024xf32, #tpu.memory_space<hbm>> -> memref<8x1024xf32, #tpu.memory_space<hbm>>
    tpu.enqueue_dma source(%arg6 : memref<8x1024xf32, #tpu.memory_space<vmem>>) target(%dma_start3A_102 : memref<8x1024xf32, #tpu.memory_space<hbm>>) target_semaphore(%arg7 : memref<!tpu.dma_semaphore, #tpu.memory_space<semaphore_mem>>)
    %add3A_103 = arith.constant 120 : i32
    %add3A_104 = arith.addi %mul3A_2, %add3A_103 : i32
    %dma_start3A_105 = arith.constant 0 : i32
    %dma_start3A_106 = tpu.memref_slice %arg4[%add3A_104, %dma_start3A_105] : memref<4096x1024xf32, #tpu.memory_space<hbm>> -> memref<8x1024xf32, #tpu.memory_space<hbm>>
    %dma_start3A_107 = arith.constant 0 : i32
    %dma_start3A_108 = tpu.memref_slice %arg4[%add3A_104, %dma_start3A_107] : memref<4096x1024xf32, #tpu.memory_space<hbm>> -> memref<8x1024xf32, #tpu.memory_space<hbm>>
    tpu.enqueue_dma source(%arg6 : memref<8x1024xf32, #tpu.memory_space<vmem>>) target(%dma_start3A_108 : memref<8x1024xf32, #tpu.memory_space<hbm>>) target_semaphore(%arg7 : memref<!tpu.dma_semaphore, #tpu.memory_space<semaphore_mem>>)
    %dma_wait3A_109 = arith.constant 0 : i32
    %dma_wait3A_110 = tpu.memref_slice %arg4[%add3A_14, %dma_wait3A_109] : memref<4096x1024xf32, #tpu.memory_space<hbm>> -> memref<8x1024xf32, #tpu.memory_space<hbm>>
    %dma_wait3A_111 = arith.constant 0 : i32
    %dma_wait3A_112 = tpu.memref_slice %arg4[%add3A_14, %dma_wait3A_111] : memref<4096x1024xf32, #tpu.memory_space<hbm>> -> memref<8x1024xf32, #tpu.memory_space<hbm>>
    tpu.wait_dma2 semaphore(%arg7 : memref<!tpu.dma_semaphore, #tpu.memory_space<semaphore_mem>>) src(%arg6 : memref<8x1024xf32, #tpu.memory_space<vmem>>) dst(%dma_wait3A_112 : memref<8x1024xf32, #tpu.memory_space<hbm>>)
    %dma_wait3A_113 = arith.constant 0 : i32
    %dma_wait3A_114 = tpu.memref_slice %arg4[%add3A_20, %dma_wait3A_113] : memref<4096x1024xf32, #tpu.memory_space<hbm>> -> memref<8x1024xf32, #tpu.memory_space<hbm>>
    %dma_wait3A_115 = arith.constant 0 : i32
    %dma_wait3A_116 = tpu.memref_slice %arg4[%add3A_20, %dma_wait3A_115] : memref<4096x1024xf32, #tpu.memory_space<hbm>> -> memref<8x1024xf32, #tpu.memory_space<hbm>>
    tpu.wait_dma2 semaphore(%arg7 : memref<!tpu.dma_semaphore, #tpu.memory_space<semaphore_mem>>) src(%arg6 : memref<8x1024xf32, #tpu.memory_space<vmem>>) dst(%dma_wait3A_116 : memref<8x1024xf32, #tpu.memory_space<hbm>>)
    %dma_wait3A_117 = arith.constant 0 : i32
    %dma_wait3A_118 = tpu.memref_slice %arg4[%add3A_26, %dma_wait3A_117] : memref<4096x1024xf32, #tpu.memory_space<hbm>> -> memref<8x1024xf32, #tpu.memory_space<hbm>>
    %dma_wait3A_119 = arith.constant 0 : i32
    %dma_wait3A_120 = tpu.memref_slice %arg4[%add3A_26, %dma_wait3A_119] : memref<4096x1024xf32, #tpu.memory_space<hbm>> -> memref<8x1024xf32, #tpu.memory_space<hbm>>
    tpu.wait_dma2 semaphore(%arg7 : memref<!tpu.dma_semaphore, #tpu.memory_space<semaphore_mem>>) src(%arg6 : memref<8x1024xf32, #tpu.memory_space<vmem>>) dst(%dma_wait3A_120 : memref<8x1024xf32, #tpu.memory_space<hbm>>)
    %dma_wait3A_121 = arith.constant 0 : i32
    %dma_wait3A_122 = tpu.memref_slice %arg4[%add3A_32, %dma_wait3A_121] : memref<4096x1024xf32, #tpu.memory_space<hbm>> -> memref<8x1024xf32, #tpu.memory_space<hbm>>
    %dma_wait3A_123 = arith.constant 0 : i32
    %dma_wait3A_124 = tpu.memref_slice %arg4[%add3A_32, %dma_wait3A_123] : memref<4096x1024xf32, #tpu.memory_space<hbm>> -> memref<8x1024xf32, #tpu.memory_space<hbm>>
    tpu.wait_dma2 semaphore(%arg7 : memref<!tpu.dma_semaphore, #tpu.memory_space<semaphore_mem>>) src(%arg6 : memref<8x1024xf32, #tpu.memory_space<vmem>>) dst(%dma_wait3A_124 : memref<8x1024xf32, #tpu.memory_space<hbm>>)
    %dma_wait3A_125 = arith.constant 0 : i32
    %dma_wait3A_126 = tpu.memref_slice %arg4[%add3A_38, %dma_wait3A_125] : memref<4096x1024xf32, #tpu.memory_space<hbm>> -> memref<8x1024xf32, #tpu.memory_space<hbm>>
    %dma_wait3A_127 = arith.constant 0 : i32
    %dma_wait3A_128 = tpu.memref_slice %arg4[%add3A_38, %dma_wait3A_127] : memref<4096x1024xf32, #tpu.memory_space<hbm>> -> memref<8x1024xf32, #tpu.memory_space<hbm>>
    tpu.wait_dma2 semaphore(%arg7 : memref<!tpu.dma_semaphore, #tpu.memory_space<semaphore_mem>>) src(%arg6 : memref<8x1024xf32, #tpu.memory_space<vmem>>) dst(%dma_wait3A_128 : memref<8x1024xf32, #tpu.memory_space<hbm>>)
    %dma_wait3A_129 = arith.constant 0 : i32
    %dma_wait3A_130 = tpu.memref_slice %arg4[%add3A_44, %dma_wait3A_129] : memref<4096x1024xf32, #tpu.memory_space<hbm>> -> memref<8x1024xf32, #tpu.memory_space<hbm>>
    %dma_wait3A_131 = arith.constant 0 : i32
    %dma_wait3A_132 = tpu.memref_slice %arg4[%add3A_44, %dma_wait3A_131] : memref<4096x1024xf32, #tpu.memory_space<hbm>> -> memref<8x1024xf32, #tpu.memory_space<hbm>>
    tpu.wait_dma2 semaphore(%arg7 : memref<!tpu.dma_semaphore, #tpu.memory_space<semaphore_mem>>) src(%arg6 : memref<8x1024xf32, #tpu.memory_space<vmem>>) dst(%dma_wait3A_132 : memref<8x1024xf32, #tpu.memory_space<hbm>>)
    %dma_wait3A_133 = arith.constant 0 : i32
    %dma_wait3A_134 = tpu.memref_slice %arg4[%add3A_50, %dma_wait3A_133] : memref<4096x1024xf32, #tpu.memory_space<hbm>> -> memref<8x1024xf32, #tpu.memory_space<hbm>>
    %dma_wait3A_135 = arith.constant 0 : i32
    %dma_wait3A_136 = tpu.memref_slice %arg4[%add3A_50, %dma_wait3A_135] : memref<4096x1024xf32, #tpu.memory_space<hbm>> -> memref<8x1024xf32, #tpu.memory_space<hbm>>
    tpu.wait_dma2 semaphore(%arg7 : memref<!tpu.dma_semaphore, #tpu.memory_space<semaphore_mem>>) src(%arg6 : memref<8x1024xf32, #tpu.memory_space<vmem>>) dst(%dma_wait3A_136 : memref<8x1024xf32, #tpu.memory_space<hbm>>)
    %dma_wait3A_137 = arith.constant 0 : i32
    %dma_wait3A_138 = tpu.memref_slice %arg4[%add3A_56, %dma_wait3A_137] : memref<4096x1024xf32, #tpu.memory_space<hbm>> -> memref<8x1024xf32, #tpu.memory_space<hbm>>
    %dma_wait3A_139 = arith.constant 0 : i32
    %dma_wait3A_140 = tpu.memref_slice %arg4[%add3A_56, %dma_wait3A_139] : memref<4096x1024xf32, #tpu.memory_space<hbm>> -> memref<8x1024xf32, #tpu.memory_space<hbm>>
    tpu.wait_dma2 semaphore(%arg7 : memref<!tpu.dma_semaphore, #tpu.memory_space<semaphore_mem>>) src(%arg6 : memref<8x1024xf32, #tpu.memory_space<vmem>>) dst(%dma_wait3A_140 : memref<8x1024xf32, #tpu.memory_space<hbm>>)
    %dma_wait3A_141 = arith.constant 0 : i32
    %dma_wait3A_142 = tpu.memref_slice %arg4[%add3A_62, %dma_wait3A_141] : memref<4096x1024xf32, #tpu.memory_space<hbm>> -> memref<8x1024xf32, #tpu.memory_space<hbm>>
    %dma_wait3A_143 = arith.constant 0 : i32
    %dma_wait3A_144 = tpu.memref_slice %arg4[%add3A_62, %dma_wait3A_143] : memref<4096x1024xf32, #tpu.memory_space<hbm>> -> memref<8x1024xf32, #tpu.memory_space<hbm>>
    tpu.wait_dma2 semaphore(%arg7 : memref<!tpu.dma_semaphore, #tpu.memory_space<semaphore_mem>>) src(%arg6 : memref<8x1024xf32, #tpu.memory_space<vmem>>) dst(%dma_wait3A_144 : memref<8x1024xf32, #tpu.memory_space<hbm>>)
    %dma_wait3A_145 = arith.constant 0 : i32
    %dma_wait3A_146 = tpu.memref_slice %arg4[%add3A_68, %dma_wait3A_145] : memref<4096x1024xf32, #tpu.memory_space<hbm>> -> memref<8x1024xf32, #tpu.memory_space<hbm>>
    %dma_wait3A_147 = arith.constant 0 : i32
    %dma_wait3A_148 = tpu.memref_slice %arg4[%add3A_68, %dma_wait3A_147] : memref<4096x1024xf32, #tpu.memory_space<hbm>> -> memref<8x1024xf32, #tpu.memory_space<hbm>>
    tpu.wait_dma2 semaphore(%arg7 : memref<!tpu.dma_semaphore, #tpu.memory_space<semaphore_mem>>) src(%arg6 : memref<8x1024xf32, #tpu.memory_space<vmem>>) dst(%dma_wait3A_148 : memref<8x1024xf32, #tpu.memory_space<hbm>>)
    %dma_wait3A_149 = arith.constant 0 : i32
    %dma_wait3A_150 = tpu.memref_slice %arg4[%add3A_74, %dma_wait3A_149] : memref<4096x1024xf32, #tpu.memory_space<hbm>> -> memref<8x1024xf32, #tpu.memory_space<hbm>>
    %dma_wait3A_151 = arith.constant 0 : i32
    %dma_wait3A_152 = tpu.memref_slice %arg4[%add3A_74, %dma_wait3A_151] : memref<4096x1024xf32, #tpu.memory_space<hbm>> -> memref<8x1024xf32, #tpu.memory_space<hbm>>
    tpu.wait_dma2 semaphore(%arg7 : memref<!tpu.dma_semaphore, #tpu.memory_space<semaphore_mem>>) src(%arg6 : memref<8x1024xf32, #tpu.memory_space<vmem>>) dst(%dma_wait3A_152 : memref<8x1024xf32, #tpu.memory_space<hbm>>)
    %dma_wait3A_153 = arith.constant 0 : i32
    %dma_wait3A_154 = tpu.memref_slice %arg4[%add3A_80, %dma_wait3A_153] : memref<4096x1024xf32, #tpu.memory_space<hbm>> -> memref<8x1024xf32, #tpu.memory_space<hbm>>
    %dma_wait3A_155 = arith.constant 0 : i32
    %dma_wait3A_156 = tpu.memref_slice %arg4[%add3A_80, %dma_wait3A_155] : memref<4096x1024xf32, #tpu.memory_space<hbm>> -> memref<8x1024xf32, #tpu.memory_space<hbm>>
    tpu.wait_dma2 semaphore(%arg7 : memref<!tpu.dma_semaphore, #tpu.memory_space<semaphore_mem>>) src(%arg6 : memref<8x1024xf32, #tpu.memory_space<vmem>>) dst(%dma_wait3A_156 : memref<8x1024xf32, #tpu.memory_space<hbm>>)
    %dma_wait3A_157 = arith.constant 0 : i32
    %dma_wait3A_158 = tpu.memref_slice %arg4[%add3A_86, %dma_wait3A_157] : memref<4096x1024xf32, #tpu.memory_space<hbm>> -> memref<8x1024xf32, #tpu.memory_space<hbm>>
    %dma_wait3A_159 = arith.constant 0 : i32
    %dma_wait3A_160 = tpu.memref_slice %arg4[%add3A_86, %dma_wait3A_159] : memref<4096x1024xf32, #tpu.memory_space<hbm>> -> memref<8x1024xf32, #tpu.memory_space<hbm>>
    tpu.wait_dma2 semaphore(%arg7 : memref<!tpu.dma_semaphore, #tpu.memory_space<semaphore_mem>>) src(%arg6 : memref<8x1024xf32, #tpu.memory_space<vmem>>) dst(%dma_wait3A_160 : memref<8x1024xf32, #tpu.memory_space<hbm>>)
    %dma_wait3A_161 = arith.constant 0 : i32
    %dma_wait3A_162 = tpu.memref_slice %arg4[%add3A_92, %dma_wait3A_161] : memref<4096x1024xf32, #tpu.memory_space<hbm>> -> memref<8x1024xf32, #tpu.memory_space<hbm>>
    %dma_wait3A_163 = arith.constant 0 : i32
    %dma_wait3A_164 = tpu.memref_slice %arg4[%add3A_92, %dma_wait3A_163] : memref<4096x1024xf32, #tpu.memory_space<hbm>> -> memref<8x1024xf32, #tpu.memory_space<hbm>>
    tpu.wait_dma2 semaphore(%arg7 : memref<!tpu.dma_semaphore, #tpu.memory_space<semaphore_mem>>) src(%arg6 : memref<8x1024xf32, #tpu.memory_space<vmem>>) dst(%dma_wait3A_164 : memref<8x1024xf32, #tpu.memory_space<hbm>>)
    %dma_wait3A_165 = arith.constant 0 : i32
    %dma_wait3A_166 = tpu.memref_slice %arg4[%add3A_98, %dma_wait3A_165] : memref<4096x1024xf32, #tpu.memory_space<hbm>> -> memref<8x1024xf32, #tpu.memory_space<hbm>>
    %dma_wait3A_167 = arith.constant 0 : i32
    %dma_wait3A_168 = tpu.memref_slice %arg4[%add3A_98, %dma_wait3A_167] : memref<4096x1024xf32, #tpu.memory_space<hbm>> -> memref<8x1024xf32, #tpu.memory_space<hbm>>
    tpu.wait_dma2 semaphore(%arg7 : memref<!tpu.dma_semaphore, #tpu.memory_space<semaphore_mem>>) src(%arg6 : memref<8x1024xf32, #tpu.memory_space<vmem>>) dst(%dma_wait3A_168 : memref<8x1024xf32, #tpu.memory_space<hbm>>)
    %dma_wait3A_169 = arith.constant 0 : i32
    %dma_wait3A_170 = tpu.memref_slice %arg4[%add3A_104, %dma_wait3A_169] : memref<4096x1024xf32, #tpu.memory_space<hbm>> -> memref<8x1024xf32, #tpu.memory_space<hbm>>
    %dma_wait3A_171 = arith.constant 0 : i32
    %dma_wait3A_172 = tpu.memref_slice %arg4[%add3A_104, %dma_wait3A_171] : memref<4096x1024xf32, #tpu.memory_space<hbm>> -> memref<8x1024xf32, #tpu.memory_space<hbm>>
    tpu.wait_dma2 semaphore(%arg7 : memref<!tpu.dma_semaphore, #tpu.memory_space<semaphore_mem>>) src(%arg6 : memref<8x1024xf32, #tpu.memory_space<vmem>>) dst(%dma_wait3A_172 : memref<8x1024xf32, #tpu.memory_space<hbm>>)
    return
  }
}

</mosaic_0001>

<sc_bundles>
// kernel: kernel.3.cloned.1.call-start
scs
__scs_entry_jumppad:
0x0: {  	(pc) =	sbr.rel $0x88, $3  }
0x1: {  	(tag) =	ssettag $0x0;
	lr =	simm.s32 $0x1  }
0x2: {  	[smem:$0x3F9F] =	sst lr;
	_ =	strace $0xD0000000  }
0x3: {  	_ = 	snop  }
0x4: {  	_ = 	snop  }
0x5: {  	_ = 	snop  }
0x6: {  	_ = 	snop  }
0x7: {  	_ = 	snop  }
__scs_overlays_trampoline_lowered:
0x8: {  	[smem:$0x3FAE] =	sst s0  }
0x9: {  	[smem:$0x3FAF] =	sst s1  }
0xa: {  	[smem:$0x3FB0] =	sst s2  }
0xb: {  	[smem:$0x3FB1] =	sst s3  }
0xc: {  	[smem:$0x3FB2] =	sst s4  }
0xd: {  	[smem:$0x3FB3] =	sst s5  }
0xe: {  	[smem:$0x3FB4] =	sst s6  }
0xf: {  	[smem:$0x3FB5] =	sst s7  }
0x10: {  	[smem:$0x3FB6] =	sst s8  }
0x11: {  	[smem:$0x3FB7] =	sst s9;
	s0 =	simm.s32 @!p0 $0x0  }
0x12: {  	s1 =	sld [smem:$0x3F9D];
	s0 =	simm.s32 @p0 $0x1  }
0x13: {  	[smem:$0x3FB8] =	sst s0;
	s0 =	simm.s32 @!p1 $0x0  }
0x14: {  	s2 =	sld [smem:$0x3F9C];
	s0 =	simm.s32 @p1 $0x1  }
0x15: {  	[smem:$0x3FB9] =	sst s0;
	s0 =	simm.s32 @!p2 $0x0  }
0x16: {  	s3 =	sld [smem:$0x3FDB];
	s0 =	simm.s32 @p2 $0x1  }
0x17: {  	s4 =	simm.s32 $0x1BF5;
	[smem:$0x3FBB] =	sst s0  }
0x18: {  	s0 =	sld [smem:$0x3F9E];
	_ =	swait.ge [sflag:s4], $0x0  }
0x19: {  	s7 =	sld [smem:$0x3F9F]  }
0x1a: {  	s8 =	sadd.s32 $0xFFFFE003, lr  }
0x1b: {  	s9 =	sadd.s32 $0xFFFFFEF7, lr;
	s5 =	simm.s32 $0xFFFFFFFF;
	p2 =	slt.u32 s8, $0xFFFFF086  }
0x1c: {  	p1 =	slt.u32 s9, $0xF7A;
	s5 =	simm.s32 @!p2 $0x0  }
0x1d: {  	s5 =	simm.s32 @p1 $0x1;
	p0 =	seq.s32 s7, s2  }
0x1e: {  	s7 =	smul.u32 @!p0 $0xF7A, s2;
	p2 =	seq.s32 @!p0 s5, $0x0  }
0x1f: {  	s9 =	smul.u32 $0xF7A, s1;
	s8 =	simm.s32 @!p0 $0x1BF5;
	p2 =	por !p2, p0  }
0x20: {  	[sflag:s8] =	ssyncset.s32 @!p0 $0xFFFFF086;
	s6 =	sadd.s32 @!p0 s3, s7;
	s7 =	simm.s32 @!p0 $0x108  }
0x21: {  	s3 =	sadd.s32 s3, s9;
	s6 =	sadd.s32 @!p0 $0x88, s6;
	s7 =	simm.s32 @p2 $0x1082  }
0x22: {  	[simem:s7], [sflag:s8] =	dma.local @!p0 [hbm:s6], $0xF7A  }
0x23: {  	s9 =	sor.u32 $0xD0000000, s2;
	s6 =	simm.s32 $0x108;
	_ =	swait.ge @!p0 [sflag:s8], $0x0  }
0x24: {  	s3 =	sadd.s32 $0x88, s3;
	s6 =	simm.s32 @!p1 $0x1082;
	[sflag:s4] =	ssyncset.s32 $0xFFFFF086  }
0x25: {  	[simem:s6], [sflag:s4] =	dma.local [hbm:s3], $0xF7A  }
0x26: {  	[smem:$0x3F9F] =	sst s1;
	(tag) =	ssettag s2;
	_ =	strace s9  }
0x27: {  	s1 =	sld [smem:$0x3FAF]  }
0x28: {  	s2 =	sld [smem:$0x3FB0]  }
0x29: {  	s4 =	sld [smem:$0x3FB2]  }
0x2a: {  	p0 =	seq.s32 s5, $0x0;
	s5 =	sld [smem:$0x3FB3]  }
0x2b: {  	s6 =	sld [smem:$0x3FB4]  }
0x2c: {  	s7 =	sld [smem:$0x3FB5]  }
0x2d: {  	s3 =	simm.s32 $0x108;
	s8 =	sld [smem:$0x3FB6]  }
0x2e: {  	s3 =	simm.s32 @!p0 $0x1082;
	s9 =	sld [smem:$0x3FB7]  }
0x2f: {  	lr =	sadd.s32 s0, s3;
	s0 =	sld [smem:$0x3FAE]  }
0x30: {  	s3 =	sld [smem:$0x3FB1]  }
0x31: {  	[smem:$0x3FBA] =	sst s10  }
0x32: {  	s10 =	sld [smem:$0x3FB8];
	_ =	sdelay $0x3  }
0x33: {  	p0 =	seq.s32 s10, $0x1;
	s10 =	sld [smem:$0x3FBA];
	_ =	sdelay $0x3  }
0x34: {  	[smem:$0x3FBA] =	sst s10  }
0x35: {  	s10 =	sld [smem:$0x3FB9];
	_ =	sdelay $0x3  }
0x36: {  	p1 =	seq.s32 s10, $0x1;
	s10 =	sld [smem:$0x3FBA];
	_ =	sdelay $0x3  }
0x37: {  	[smem:$0x3FBA] =	sst s10  }
0x38: {  	s10 =	sld [smem:$0x3FBB]  }
0x39: {  	_ = 	snop;
	(pc) =	sbr.ind lr, $3  }
0x3a: {  	_ = 	snop  }
0x3b: {  	_ = 	snop  }
0x3c: {  	p2 =	seq.s32 s10, $0x1;
	s10 =	sld [smem:$0x3FBA]  }
0x3d: {  	_ =	shalt  }
0x3e: {  	_ =	shalt  }
0x3f: {  	_ =	shalt  }
0x40: {  	_ =	shalt  }
0x41: {  	_ =	shalt  }
0x42: {  	_ =	shalt  }
0x43: {  	_ =	shalt  }
0x44: {  	_ =	shalt  }
0x45: {  	_ =	shalt  }
0x46: {  	_ =	shalt  }
0x47: {  	_ =	shalt  }
0x48: {  	_ =	shalt  }
0x49: {  	_ =	shalt  }
0x4a: {  	_ =	shalt  }
0x4b: {  	_ =	shalt  }
0x4c: {  	_ =	shalt  }
0x4d: {  	_ =	shalt  }
0x4e: {  	_ =	shalt  }
0x4f: {  	_ =	shalt  }
0x50: {  	_ =	shalt  }
0x51: {  	_ =	shalt  }
0x52: {  	_ =	shalt  }
0x53: {  	_ =	shalt  }
0x54: {  	_ =	shalt  }
0x55: {  	_ =	shalt  }
0x56: {  	_ =	shalt  }
0x57: {  	_ =	shalt  }
0x58: {  	_ =	shalt  }
0x59: {  	_ =	shalt  }
0x5a: {  	_ =	shalt  }
0x5b: {  	_ =	shalt  }
0x5c: {  	_ =	shalt  }
0x5d: {  	_ =	shalt  }
0x5e: {  	_ =	shalt  }
0x5f: {  	_ =	shalt  }
0x60: {  	_ =	shalt  }
0x61: {  	_ =	shalt  }
0x62: {  	_ =	shalt  }
0x63: {  	_ =	shalt  }
0x64: {  	_ =	shalt  }
0x65: {  	_ =	shalt  }
0x66: {  	_ =	shalt  }
0x67: {  	_ =	shalt  }
0x68: {  	_ =	shalt  }
0x69: {  	_ =	shalt  }
0x6a: {  	_ =	shalt  }
0x6b: {  	_ =	shalt  }
0x6c: {  	_ =	shalt  }
0x6d: {  	_ =	shalt  }
0x6e: {  	_ =	shalt  }
0x6f: {  	_ =	shalt  }
0x70: {  	_ =	shalt  }
0x71: {  	_ =	shalt  }
0x72: {  	_ =	shalt  }
0x73: {  	_ =	shalt  }
0x74: {  	_ =	shalt  }
0x75: {  	_ =	shalt  }
0x76: {  	_ =	shalt  }
0x77: {  	_ =	shalt  }
0x78: {  	_ =	shalt  }
0x79: {  	_ =	shalt  }
0x7a: {  	_ =	shalt  }
0x7b: {  	_ =	shalt  }
0x7c: {  	_ =	shalt  }
0x7d: {  	_ =	shalt  }
0x7e: {  	_ =	shalt  }
0x7f: {  	_ =	shalt  }
0x80: {  	_ =	shalt  }
0x81: {  	_ =	shalt  }
0x82: {  	_ =	shalt  }
0x83: {  	_ =	shalt  }
0x84: {  	_ =	shalt  }
0x85: {  	_ =	shalt  }
0x86: {  	_ =	shalt  }
0x87: {  	_ =	shalt  }
.Lfunc_end0:
.L_simem_size_0:
called_computation_lowered:
.L_overlay_start_0:
0x88: {  	s2 =	sld [smem:$0x3FD9]  }
0x89: {  	s3 =	sld [smem:$0x3FFE];
	_ =	sdelay $0x1  }
0x8a: {  	s1 =	srdreg.scid  }
0x8b: {  	s0 =	sand.u32 $0x1, s1  }
0x8c: {  	s17 =	sshll.u32 s0, $0xA;
	s2 =	sadd.s32 s3, s2  }
0x8d: {  	s2 =	sadd.s32 s2, s17  }
0x8e: {  	[smem:$0x3FC6] =	sst s2  }
0x8f: {  	_ = 	snop  }
0x90: {  	s2 =	sld [smem:$0x3FC8]  }
0x91: {  	s18 =	sld [smem:$0x3FD0];
	(tm) =	ssettm $0x1  }
0x92: {  	s4 =	sld [smem:$0x3FFB];
	_ =	sdelay $0x3  }
0x93: {  	_ =	strace s4  }
0x94: {  	s4 =	sld [smem:$0x3FFC];
	_ =	sdelay $0x3  }
0x95: {  	_ =	strace s4  }
0x96: {  	s4 =	sld [smem:$0x3FFD];
	_ =	sdelay $0x3  }
0x97: {  	_ =	strace s4  }
0x98: {  	_ =	strace $0x8FFFFFFF  }
0x99: {  	s19 =	sld [smem:$0x3FDB];
	_ =	sdelay $0x1  }
0x9a: {  	s5 =	simm.s32 $_scs_section_size  }
0x9b: {  	s6 =	simm.s32 $_size__tile_overlayer_lowered;
	s7 =	simm.s32 $_tile_overlayer_lowered  }
0x9c: {  	s22 =	simm.s32 $0x1BFF;
	s21 =	sshll.u32 s7, $0x1;
	s4 =	sadd.s32 s5, s19  }
0x9d: {  	s8 =	simm.s32 $0x0;
	s20 =	sshll.u32 s6, $0x1;
	s6 =	sadd.s32 s21, s4  }
0x9e: {  	[timem:s8], [sflag:s22] =	dma.local [hbm:s6], s20  }
0x9f: {  	_ =	swait.ge [sflag:s22], s20  }
0xa0: {  	s5 =	ssub.s32 $0x0, s20;
	[sflag:s22] =	ssyncset.done $0x0  }
0xa1: {  	[sflag:s22] =	ssyncadd.s32 s5;
	_ =	sdelay $0x1  }
0xa2: {  	s23 =	simm.s32 $0x1B8B  }
0xa3: {  	_ =	swait.ge [sflag:s23], $0x1  }
0xa4: {  	[sflag:s23] =	ssyncset.done $0x0  }
0xa5: {  	s25 =	simm.s32 $0x1B8E;
	s24 =	sld [smem:$0x3FFE];
	[sflag:s23] =	ssyncadd.s32 $0xFFFFFFFF  }
0xa6: {  	s26 =	simm.s32 $execute0_lowered;
	[smem:$0x3FD2] =	sst s25  }
0xa7: {  	s6 =	sshll.u32 s26, $0x1;
	_ =	strace $0x80000046;
	[dreg:$0x1] =	wrdreg $0xFFFFFFFF  }
0xa8: {  	s28 =	simm.s32 $_size_execute0_lowered;
	s4 =	sadd.s32 s4, s6;
	[dreg:$0x0] =	wrdreg $0x0  }
0xa9: {  	s6 =	sshll.u32 s28, $0x1;
	[dreg:$0x2] =	wrdreg s4  }
0xaa: {  	[dreg:$0x3] =	wrdreg s6  }
0xab: {  	[dreg:$0x4] =	wrdreg $0xC0  }
0xac: {  	_ =	task [dreg:s8], $0x5FFFF  }
0xad: {  	[dreg:$0x1] =	wrdreg $0xFFFFFFFF  }
0xae: {  	[dreg:$0x0] =	wrdreg $0x60  }
0xaf: {  	[dreg:$0x2] =	wrdreg s24  }
0xb0: {  	[dreg:$0x3] =	wrdreg s2  }
0xb1: {  	[dreg:$0x4] =	wrdreg s18  }
0xb2: {  	[dreg:$0x5] =	wrdreg $0x9  }
0xb3: {  	_ =	task.clear_ibuf [dreg:s8], $0x6FFFF;
	_ =	strace $0x90000046  }
0xb4: {  	s29 =	simm.s32 $0x9;
	_ =	strace $0x80000048  }
0xb5: {  	_ =	swait.ge [sflag:s29], $0x1  }
0xb6: {  	[sflag:s29] =	ssyncadd.s32 $0xFFFFFFFF  }
0xb7: {  	_ =	strace $0x90000048  }
0xb8: {  	_ =	sfence  }
0xb9: {  	s30 =	sld [smem:$0x0];
	_ =	sdelay $0x2  }
0xba: {  	s31 =	sshll.u32 s1, $0xD;
	s1 =	sshrl.u32 s1, $0x2  }
0xbb: {  	s3 =	sand.u32 $0x4000, s31;
	s1 =	sadd.s32 s1, s30  }
0xbc: {  	s0 =	sor.u32 s3, s0;
	s1 =	sshll.u32 s1, $0x11  }
0xbd: {  	s0 =	sor.u32 s1, s0  }
0xbe: {  	s0 =	sadd.s32 $0x8F2B, s0  }
0xbf: {  	[sflag:s0] =	ssyncadd.remote.s32 $0x1  }
0xc0: {  	_ =	sfence.sel $0xFFFF  }
0xc1: {  	[dreg:$0x0] =	wrdreg $0xFFFFFFFF;
	(pc) =	sbr.abs _section_cstart, $3  }
0xc2: {  	[dreg:$0x1] =	wrdreg $0xFFFFFFFF  }
0xc3: {  	_ =	task.clear_ibuf [dreg:s8], $0x2FFFF;
	_ =	strace $0x9FFFFFFF  }
0xc4: {  	(tm) =	ssettm $0x7FFFFFFF  }
0xc5: {  	_ =	shalt  }
tec
execute0_lowered:
.L_overlay_start_1:
0x0: {  	(tag) =	ssettag $0x1  }
0x1: {  	s3 =	rddreg [dreg:$0x0]  }
0x2: {  	s1 =	rddreg [dreg:$0x1]  }
0x3: {  	s14 =	rddreg [dreg:$0x2];
	s2 =	simm.s32 $0x0  }
0x4: {  	[smem:$0x7FF] =	sst s2  }
0x5: {  	s4 =	simm.s32 $0x2;
	s3 =	sadd.s32 $0x400, s3;
	_ =	strace $0x80000047  }
0x6: {  	[tilespmem:s2], [sflag:$0x2] =	stream.linear.gather [hbm4b:s3+s2], $0x80, $0x38;
	[tilespmem:$0x2080] =	vst v63  }
0x7: {  	_ =	swait.ge [sflag:s4], $0x80  }
0x8: {  	[sflag:s4] =	ssyncset.done $0x0  }
0x9: {  	[sflag:s4] =	ssyncadd.s32 $0xFFFFFF80  }
0xa: {  	v0 =	vld.msk [tilespmem:$0x0], $0xff;
	_ =	sdelay $0x4  }
0xb: {  	v1 =	vshll.u32 v0, $0x3  }
0xc: {  	v2 =	vlaneseq.u32;
	v3 =	vand.u32 $0x3, v0;
	v1 =	vand.u32 $0xFFFFFFE0, v1  }
0xd: {  	v0 =	vand.u32 $0x7, v2;
	v2 =	vshrl.u32 v2, $0x3;
	v3 =	vor.u32 v3, v1  }
0xe: {  	v1 =	vmul.u32 $0x4, v2;
	v2 =	vperm.xlane v3, v0;
	_ =	sdelay $0x1  }
0xf: {  	v2 =	vadd.s32 v1, v2;
	_ =	sdelay $0x3  }
0x10: {  	s9 =	srdreg.scid;
	vm0 =	vmmov $0xffff;
	s6 =	simm.s32 $0x80  }
0x11: {  	[tilespmem:s6], [sflag:$0x1] =	stream.indirect_vreg.gather [hbm4b:s1+s2], $0x80, v2, vm0, $0xb8;
	[tilespmem:$0x2080] =	vst v63  }
0x12: {  	s5 =	stileid.u32;
	s8 =	simm.s32 $0x880;
	s7 =	sadd.s32 $0x80, s1  }
0x13: {  	[tilespmem:s8], [sflag:$0x1] =	stream.indirect_vreg.gather [hbm4b:s7+s2], $0x80, v2, vm0, $0xb8;
	[tilespmem:$0x2080] =	vst v63  }
0x14: {  	s10 =	simm.s32 $0x1080;
	s31 =	sand.u32 $0x1, s9;
	s9 =	sadd.s32 $0x100, s1  }
0x15: {  	[tilespmem:s10], [sflag:$0x1] =	stream.indirect_vreg.gather [hbm4b:s9+s2], $0x80, v2, vm0, $0xb8;
	[tilespmem:$0x2080] =	vst v63  }
0x16: {  	s13 =	simm.s32 $0x1880;
	s12 =	simm.s32 $0x1;
	s11 =	sadd.s32 $0x180, s1  }
0x17: {  	[tilespmem:s13], [sflag:$0x1] =	stream.indirect_vreg.gather [hbm4b:s11+s2], $0x80, v2, vm0, $0xb8;
	[tilespmem:$0x2080] =	vst v63  }
0x18: {  	s15 =	sshll.u32 s5, $0xF;
	s16 =	sshll.u32 s31, $0xE;
	_ =	swait.ge [sflag:s12], $0x2000  }
0x19: {  	s15 =	sor.u32 s16, s15;
	[sflag:s12] =	ssyncset.done $0x0  }
0x1a: {  	s14 =	sadd.s32 s14, s15;
	[sflag:s12] =	ssyncadd.s32 $0xFFFFE000  }
0x1b: {  	[hbm4b:s14+s2] =	stream.linear.scatter [tilespmem:s6], [sflag:$0x1], $0x2000, $0x38;
	[tilespmem:$0x2080] =	vst v63  }
0x1c: {  	s15 =	sadd.s32 $0x400, s14  }
0x1d: {  	[hbm4b:s15+s2] =	stream.linear.scatter [tilespmem:s6], [sflag:$0x1], $0x2000, $0x38;
	[tilespmem:$0x2080] =	vst v63  }
0x1e: {  	s16 =	sadd.s32 $0x800, s14  }
0x1f: {  	[hbm4b:s16+s2] =	stream.linear.scatter [tilespmem:s6], [sflag:$0x1], $0x2000, $0x38;
	[tilespmem:$0x2080] =	vst v63  }
0x20: {  	s17 =	sadd.s32 $0xC00, s14  }
0x21: {  	[hbm4b:s17+s2] =	stream.linear.scatter [tilespmem:s6], [sflag:$0x1], $0x2000, $0x38;
	[tilespmem:$0x2080] =	vst v63  }
0x22: {  	s18 =	sadd.s32 $0x1000, s14  }
0x23: {  	[hbm4b:s18+s2] =	stream.linear.scatter [tilespmem:s6], [sflag:$0x1], $0x2000, $0x38;
	[tilespmem:$0x2080] =	vst v63  }
0x24: {  	s19 =	sadd.s32 $0x1400, s14  }
0x25: {  	[hbm4b:s19+s2] =	stream.linear.scatter [tilespmem:s6], [sflag:$0x1], $0x2000, $0x38;
	[tilespmem:$0x2080] =	vst v63  }
0x26: {  	s20 =	sadd.s32 $0x1800, s14  }
0x27: {  	[hbm4b:s20+s2] =	stream.linear.scatter [tilespmem:s6], [sflag:$0x1], $0x2000, $0x38;
	[tilespmem:$0x2080] =	vst v63  }
0x28: {  	s21 =	sadd.s32 $0x1C00, s14  }
0x29: {  	[hbm4b:s21+s2] =	stream.linear.scatter [tilespmem:s6], [sflag:$0x1], $0x2000, $0x38;
	[tilespmem:$0x2080] =	vst v63  }
0x2a: {  	s22 =	sadd.s32 $0x2000, s14  }
0x2b: {  	[hbm4b:s22+s2] =	stream.linear.scatter [tilespmem:s6], [sflag:$0x1], $0x2000, $0x38;
	[tilespmem:$0x2080] =	vst v63  }
0x2c: {  	s23 =	sadd.s32 $0x2400, s14  }
0x2d: {  	[hbm4b:s23+s2] =	stream.linear.scatter [tilespmem:s6], [sflag:$0x1], $0x2000, $0x38;
	[tilespmem:$0x2080] =	vst v63  }
0x2e: {  	s24 =	sadd.s32 $0x2800, s14  }
0x2f: {  	[hbm4b:s24+s2] =	stream.linear.scatter [tilespmem:s6], [sflag:$0x1], $0x2000, $0x38;
	[tilespmem:$0x2080] =	vst v63  }
0x30: {  	s25 =	sadd.s32 $0x2C00, s14  }
0x31: {  	[hbm4b:s25+s2] =	stream.linear.scatter [tilespmem:s6], [sflag:$0x1], $0x2000, $0x38;
	[tilespmem:$0x2080] =	vst v63  }
0x32: {  	s26 =	sadd.s32 $0x3000, s14  }
0x33: {  	[hbm4b:s26+s2] =	stream.linear.scatter [tilespmem:s6], [sflag:$0x1], $0x2000, $0x38;
	[tilespmem:$0x2080] =	vst v63  }
0x34: {  	s28 =	sadd.s32 $0x3400, s14  }
0x35: {  	[hbm4b:s28+s2] =	stream.linear.scatter [tilespmem:s6], [sflag:$0x1], $0x2000, $0x38;
	[tilespmem:$0x2080] =	vst v63  }
0x36: {  	s29 =	sadd.s32 $0x3800, s14  }
0x37: {  	[hbm4b:s29+s2] =	stream.linear.scatter [tilespmem:s6], [sflag:$0x1], $0x2000, $0x38;
	[tilespmem:$0x2080] =	vst v63  }
0x38: {  	s30 =	sadd.s32 $0x3C00, s14  }
0x39: {  	[hbm4b:s30+s2] =	stream.linear.scatter [tilespmem:s6], [sflag:$0x1], $0x2000, $0x38;
	[tilespmem:$0x2080] =	vst v63  }
0x3a: {  	_ =	swait.ge [sflag:s12], $0x2000  }
0x3b: {  	[sflag:s12] =	ssyncset.done $0x0  }
0x3c: {  	[sflag:s12] =	ssyncadd.s32 $0xFFFFE000  }
0x3d: {  	_ =	swait.ge [sflag:s12], $0x2000  }
0x3e: {  	[sflag:s12] =	ssyncset.done $0x0  }
0x3f: {  	[sflag:s12] =	ssyncadd.s32 $0xFFFFE000  }
0x40: {  	_ =	swait.ge [sflag:s12], $0x2000  }
0x41: {  	[sflag:s12] =	ssyncset.done $0x0  }
0x42: {  	[sflag:s12] =	ssyncadd.s32 $0xFFFFE000  }
0x43: {  	_ =	swait.ge [sflag:s12], $0x2000  }
0x44: {  	[sflag:s12] =	ssyncset.done $0x0  }
0x45: {  	[sflag:s12] =	ssyncadd.s32 $0xFFFFE000  }
0x46: {  	_ =	swait.ge [sflag:s12], $0x2000  }
0x47: {  	[sflag:s12] =	ssyncset.done $0x0  }
0x48: {  	[sflag:s12] =	ssyncadd.s32 $0xFFFFE000  }
0x49: {  	_ =	swait.ge [sflag:s12], $0x2000  }
0x4a: {  	[sflag:s12] =	ssyncset.done $0x0  }
0x4b: {  	[sflag:s12] =	ssyncadd.s32 $0xFFFFE000  }
0x4c: {  	_ =	swait.ge [sflag:s12], $0x2000  }
0x4d: {  	[sflag:s12] =	ssyncset.done $0x0  }
0x4e: {  	[sflag:s12] =	ssyncadd.s32 $0xFFFFE000  }
0x4f: {  	_ =	swait.ge [sflag:s12], $0x2000  }
0x50: {  	[sflag:s12] =	ssyncset.done $0x0  }
0x51: {  	[sflag:s12] =	ssyncadd.s32 $0xFFFFE000  }
0x52: {  	_ =	swait.ge [sflag:s12], $0x2000  }
0x53: {  	[sflag:s12] =	ssyncset.done $0x0  }
0x54: {  	[sflag:s12] =	ssyncadd.s32 $0xFFFFE000  }
0x55: {  	_ =	swait.ge [sflag:s12], $0x2000  }
0x56: {  	[sflag:s12] =	ssyncset.done $0x0  }
0x57: {  	[sflag:s12] =	ssyncadd.s32 $0xFFFFE000  }
0x58: {  	_ =	swait.ge [sflag:s12], $0x2000  }
0x59: {  	[sflag:s12] =	ssyncset.done $0x0  }
0x5a: {  	[sflag:s12] =	ssyncadd.s32 $0xFFFFE000  }
0x5b: {  	_ =	swait.ge [sflag:s12], $0x2000  }
0x5c: {  	[sflag:s12] =	ssyncset.done $0x0  }
0x5d: {  	[sflag:s12] =	ssyncadd.s32 $0xFFFFE000  }
0x5e: {  	_ =	swait.ge [sflag:s12], $0x2000  }
0x5f: {  	s31 =	ssub.s32 $0x2, s31;
	[sflag:s12] =	ssyncset.done $0x0  }
0x60: {  	s0 =	sshrl.u32 s31, $0x1;
	[sflag:s12] =	ssyncadd.s32 $0xFFFFE000  }
0x61: {  	s0 =	ssub.s32 s31, s0;
	_ =	swait.ge [sflag:s12], $0x2000  }
0x62: {  	s0 =	smax.u32 s0, $0x1;
	[sflag:s12] =	ssyncset.done $0x0  }
0x63: {  	p0 =	sne.s32 s0, $0x1;
	[sflag:s12] =	ssyncadd.s32 $0xFFFFE000  }
.Ltmp0:
0x64: {  	_ =	swait.ge [sflag:s12], $0x2000;
	(pc) =	sbr.rel @!p0 .LBB2_2-.Ltmp0, $4  }
0x65: {  	[sflag:s12] =	ssyncset.done $0x0  }
0x66: {  	[sflag:s12] =	ssyncadd.s32 $0xFFFFE000  }
0x67: {  	_ =	swait.ge [sflag:s12], $0x2000  }
0x68: {  	s31 =	sadd.s32 $0xFFFFFFFF, s0;
	[sflag:s12] =	ssyncset.done $0x0  }
.LBB2_1:
0x69: {  	p0 =	sne.s32 s31, $0x1;
	s31 =	sadd.s32 $0xFFFFFFFF, s31;
	[sflag:s12] =	ssyncadd.s32 $0xFFFFE000  }
0x6a: {  	[tilespmem:s2], [sflag:$0x2] =	stream.linear.gather [hbm4b:s3+s2], $0x80, $0x38;
	[tilespmem:$0x2080] =	vst v63  }
0x6b: {  	_ =	swait.ge [sflag:s4], $0x80  }
0x6c: {  	[sflag:s4] =	ssyncset.done $0x0  }
0x6d: {  	[sflag:s4] =	ssyncadd.s32 $0xFFFFFF80  }
0x6e: {  	v2 =	vld.msk [tilespmem:$0x0], $0xff;
	_ =	sdelay $0x4  }
0x6f: {  	v3 =	vshll.u32 v2, $0x3  }
0x70: {  	v2 =	vand.u32 $0x3, v2;
	v3 =	vand.u32 $0xFFFFFFE0, v3  }
0x71: {  	v2 =	vor.u32 v2, v3  }
0x72: {  	v2 =	vperm.xlane v2, v0;
	_ =	sdelay $0x1  }
0x73: {  	v2 =	vadd.s32 v1, v2;
	_ =	sdelay $0x4  }
0x74: {  	[tilespmem:s6], [sflag:$0x1] =	stream.indirect_vreg.gather [hbm4b:s1+s2], $0x80, v2, vm0, $0xb8;
	[tilespmem:$0x2080] =	vst v63  }
0x75: {  	_ = 	snop  }
0x76: {  	[tilespmem:s8], [sflag:$0x1] =	stream.indirect_vreg.gather [hbm4b:s7+s2], $0x80, v2, vm0, $0xb8;
	[tilespmem:$0x2080] =	vst v63  }
0x77: {  	_ = 	snop  }
0x78: {  	[tilespmem:s10], [sflag:$0x1] =	stream.indirect_vreg.gather [hbm4b:s9+s2], $0x80, v2, vm0, $0xb8;
	[tilespmem:$0x2080] =	vst v63  }
0x79: {  	_ = 	snop  }
0x7a: {  	[tilespmem:s13], [sflag:$0x1] =	stream.indirect_vreg.gather [hbm4b:s11+s2], $0x80, v2, vm0, $0xb8;
	[tilespmem:$0x2080] =	vst v63  }
0x7b: {  	_ =	swait.ge [sflag:s12], $0x2000  }
0x7c: {  	[sflag:s12] =	ssyncset.done $0x0  }
0x7d: {  	[sflag:s12] =	ssyncadd.s32 $0xFFFFE000  }
0x7e: {  	[hbm4b:s14+s2] =	stream.linear.scatter [tilespmem:s6], [sflag:$0x1], $0x2000, $0x38;
	[tilespmem:$0x2080] =	vst v63  }
0x7f: {  	_ = 	snop  }
0x80: {  	[hbm4b:s15+s2] =	stream.linear.scatter [tilespmem:s6], [sflag:$0x1], $0x2000, $0x38;
	[tilespmem:$0x2080] =	vst v63  }
0x81: {  	_ = 	snop  }
0x82: {  	[hbm4b:s16+s2] =	stream.linear.scatter [tilespmem:s6], [sflag:$0x1], $0x2000, $0x38;
	[tilespmem:$0x2080] =	vst v63  }
0x83: {  	_ = 	snop  }
0x84: {  	[hbm4b:s17+s2] =	stream.linear.scatter [tilespmem:s6], [sflag:$0x1], $0x2000, $0x38;
	[tilespmem:$0x2080] =	vst v63  }
0x85: {  	_ = 	snop  }
0x86: {  	[hbm4b:s18+s2] =	stream.linear.scatter [tilespmem:s6], [sflag:$0x1], $0x2000, $0x38;
	[tilespmem:$0x2080] =	vst v63  }
0x87: {  	_ = 	snop  }
0x88: {  	[hbm4b:s19+s2] =	stream.linear.scatter [tilespmem:s6], [sflag:$0x1], $0x2000, $0x38;
	[tilespmem:$0x2080] =	vst v63  }
0x89: {  	_ = 	snop  }
0x8a: {  	[hbm4b:s20+s2] =	stream.linear.scatter [tilespmem:s6], [sflag:$0x1], $0x2000, $0x38;
	[tilespmem:$0x2080] =	vst v63  }
0x8b: {  	_ = 	snop  }
0x8c: {  	[hbm4b:s21+s2] =	stream.linear.scatter [tilespmem:s6], [sflag:$0x1], $0x2000, $0x38;
	[tilespmem:$0x2080] =	vst v63  }
0x8d: {  	_ = 	snop  }
0x8e: {  	[hbm4b:s22+s2] =	stream.linear.scatter [tilespmem:s6], [sflag:$0x1], $0x2000, $0x38;
	[tilespmem:$0x2080] =	vst v63  }
0x8f: {  	_ = 	snop  }
0x90: {  	[hbm4b:s23+s2] =	stream.linear.scatter [tilespmem:s6], [sflag:$0x1], $0x2000, $0x38;
	[tilespmem:$0x2080] =	vst v63  }
0x91: {  	_ = 	snop  }
0x92: {  	[hbm4b:s24+s2] =	stream.linear.scatter [tilespmem:s6], [sflag:$0x1], $0x2000, $0x38;
	[tilespmem:$0x2080] =	vst v63  }
0x93: {  	_ = 	snop  }
0x94: {  	[hbm4b:s25+s2] =	stream.linear.scatter [tilespmem:s6], [sflag:$0x1], $0x2000, $0x38;
	[tilespmem:$0x2080] =	vst v63  }
0x95: {  	_ = 	snop  }
0x96: {  	[hbm4b:s26+s2] =	stream.linear.scatter [tilespmem:s6], [sflag:$0x1], $0x2000, $0x38;
	[tilespmem:$0x2080] =	vst v63  }
0x97: {  	_ = 	snop  }
0x98: {  	[hbm4b:s28+s2] =	stream.linear.scatter [tilespmem:s6], [sflag:$0x1], $0x2000, $0x38;
	[tilespmem:$0x2080] =	vst v63  }
0x99: {  	_ = 	snop  }
0x9a: {  	[hbm4b:s29+s2] =	stream.linear.scatter [tilespmem:s6], [sflag:$0x1], $0x2000, $0x38;
	[tilespmem:$0x2080] =	vst v63  }
0x9b: {  	_ = 	snop  }
0x9c: {  	[hbm4b:s30+s2] =	stream.linear.scatter [tilespmem:s6], [sflag:$0x1], $0x2000, $0x38;
	[tilespmem:$0x2080] =	vst v63  }
0x9d: {  	_ =	swait.ge [sflag:s12], $0x2000  }
0x9e: {  	[sflag:s12] =	ssyncset.done $0x0  }
0x9f: {  	[sflag:s12] =	ssyncadd.s32 $0xFFFFE000  }
0xa0: {  	_ =	swait.ge [sflag:s12], $0x2000  }
0xa1: {  	[sflag:s12] =	ssyncset.done $0x0  }
0xa2: {  	[sflag:s12] =	ssyncadd.s32 $0xFFFFE000  }
0xa3: {  	_ =	swait.ge [sflag:s12], $0x2000  }
0xa4: {  	[sflag:s12] =	ssyncset.done $0x0  }
0xa5: {  	[sflag:s12] =	ssyncadd.s32 $0xFFFFE000  }
0xa6: {  	_ =	swait.ge [sflag:s12], $0x2000  }
0xa7: {  	[sflag:s12] =	ssyncset.done $0x0  }
0xa8: {  	[sflag:s12] =	ssyncadd.s32 $0xFFFFE000  }
0xa9: {  	_ =	swait.ge [sflag:s12], $0x2000  }
0xaa: {  	[sflag:s12] =	ssyncset.done $0x0  }
0xab: {  	[sflag:s12] =	ssyncadd.s32 $0xFFFFE000  }
0xac: {  	_ =	swait.ge [sflag:s12], $0x2000  }
0xad: {  	[sflag:s12] =	ssyncset.done $0x0  }
0xae: {  	[sflag:s12] =	ssyncadd.s32 $0xFFFFE000  }
0xaf: {  	_ =	swait.ge [sflag:s12], $0x2000  }
0xb0: {  	[sflag:s12] =	ssyncset.done $0x0  }
0xb1: {  	[sflag:s12] =	ssyncadd.s32 $0xFFFFE000  }
0xb2: {  	_ =	swait.ge [sflag:s12], $0x2000  }
0xb3: {  	[sflag:s12] =	ssyncset.done $0x0  }
0xb4: {  	[sflag:s12] =	ssyncadd.s32 $0xFFFFE000  }
0xb5: {  	_ =	swait.ge [sflag:s12], $0x2000  }
0xb6: {  	[sflag:s12] =	ssyncset.done $0x0  }
0xb7: {  	[sflag:s12] =	ssyncadd.s32 $0xFFFFE000  }
0xb8: {  	_ =	swait.ge [sflag:s12], $0x2000  }
0xb9: {  	[sflag:s12] =	ssyncset.done $0x0  }
0xba: {  	[sflag:s12] =	ssyncadd.s32 $0xFFFFE000  }
0xbb: {  	_ =	swait.ge [sflag:s12], $0x2000  }
0xbc: {  	[sflag:s12] =	ssyncset.done $0x0  }
0xbd: {  	[sflag:s12] =	ssyncadd.s32 $0xFFFFE000  }
0xbe: {  	_ =	swait.ge [sflag:s12], $0x2000  }
0xbf: {  	[sflag:s12] =	ssyncset.done $0x0  }
0xc0: {  	[sflag:s12] =	ssyncadd.s32 $0xFFFFE000  }
0xc1: {  	_ =	swait.ge [sflag:s12], $0x2000  }
0xc2: {  	[sflag:s12] =	ssyncset.done $0x0  }
0xc3: {  	[sflag:s12] =	ssyncadd.s32 $0xFFFFE000  }
0xc4: {  	_ =	swait.ge [sflag:s12], $0x2000  }
0xc5: {  	[sflag:s12] =	ssyncset.done $0x0  }
0xc6: {  	[sflag:s12] =	ssyncadd.s32 $0xFFFFE000  }
.Ltmp1:
0xc7: {  	_ =	swait.ge [sflag:s12], $0x2000;
	(pc) =	sbr.rel @p0 .LBB2_1-.Ltmp1, $4  }
0xc8: {  	[sflag:s12] =	ssyncset.done $0x0  }
0xc9: {  	[sflag:s12] =	ssyncadd.s32 $0xFFFFE000  }
0xca: {  	_ =	swait.ge [sflag:s12], $0x2000  }
0xcb: {  	[sflag:s12] =	ssyncset.done $0x0  }
.LBB2_2:
0xcc: {  	[sflag:s12] =	ssyncadd.s32 $0xFFFFE000  }
0xcd: {  	_ =	sfence.sel $0x180000  }
0xce: {  	[bflag:$0x0] =	sbarrier.arrive $0xFFFF  }
0xcf: {  	_ =	strace $0x90000047  }
0xd0: {  	[bflag:$0x2] =	sbarrier.arrive $0xFFFF  }
0xd1: {  	p0 =	sne.s32 s5, $0x0;
	s0 =	rddreg [dreg:$0x3]  }
0xd2: {  	s0 =	sadd.s32 @!p0 $0x100000, s0  }
0xd3: {  	[sflag:s0] =	ssyncadd.tile.s32 @!p0 $0x1;
	_ =	shalt  }
.Lfunc_end2:
_tile_overlayer_lowered:
.L_overlay_start_2:
0xd4: {  	(tag) =	ssettag $0x2  }
0xd5: {  	s0 =	rddreg [dreg:$0x0];
	s2 =	stileid.u32  }
0xd6: {  	s1 =	rddreg [dreg:$0x1];
	p0 =	sne.s32 s2, $0x0  }
0xd7: {  	s3 =	rddreg [dreg:$0x2];
	[bflag:$0x3] =	sbarrier.arrive $0xFFFF;
	s2 =	simm.s32 @!p0 $0x1C02  }
0xd8: {  	[timem:s3], [sflag:s2] =	dma.local @!p0 [hbm:s0], s1  }
0xd9: {  	s0 =	simm.s32 @!p0 $0x2  }
0xda: {  	_ =	swait.ge @!p0 [sflag:s0], s1  }
0xdb: {  	s1 =	ssub.s32 @!p0 $0x0, s1;
	[sflag:s0] =	ssyncset.done @!p0 $0x0  }
0xdc: {  	[sflag:s0] =	ssyncadd.s32 @!p0 s1  }
0xdd: {  	[bflag:$0x3] =	sbarrier.arrive $0xFFFF  }
0xde: {  	_ =	shalt  }

</sc_bundles>
